<compile_context>
chip_gen: v7x
topology: tpu7x:2x2x1
jax: 0.10.2.dev20260603
libtpu: 0.0.44.dev20260713+nightly
codegen_flags: <defaults>
</compile_context>

<pallas_src>
import functools

import jax
import jax.numpy as jnp
from jax import lax
from jax.experimental import pallas as pl
from jax.experimental.pallas import tpu as pltpu
from jax.experimental.pallas import tpu_sc as plsc


def _sc_gather(W, tok, NC, NS, L):
    P, V = W.shape
    N = tok.shape[0]
    NW = NC * NS
    ROWS = P // NW
    CH = 2048
    NCH = N // CH
    assert NCH % 2 == 0

    mesh = plsc.VectorSubcoreMesh(core_axis_name="c", subcore_axis_name="s")

    @functools.partial(
        pl.kernel,
        mesh=mesh,
        compiler_params=pltpu.CompilerParams(needs_layout_passes=False),
        out_type=jax.ShapeDtypeStruct((P, N), jnp.float32),
        scratch_types=[
            pltpu.VMEM((V,), jnp.float32),
            pltpu.VMEM((N,), jnp.int32),
            pltpu.VMEM((CH,), jnp.float32),
            pltpu.VMEM((CH,), jnp.float32),
            pltpu.SemaphoreType.DMA,
            pltpu.SemaphoreType.DMA,
        ],
    )
    def sc_kernel(w_hbm, tok_hbm, ut_hbm, wrow, idxs, ub0, ub1, su0, su1):
        wid = lax.axis_index("s") * NC + lax.axis_index("c")
        pltpu.sync_copy(tok_hbm, idxs)
        bufs = ((ub0, su0), (ub1, su1))
        for r in range(ROWS):
            p = wid * ROWS + r
            pltpu.sync_copy(w_hbm.at[p], wrow)

            def pair_body(k, carry, p=p):
                for b, (ub, su) in enumerate(bufs):
                    c = k * 2 + b

                    @pl.when(k > 0)
                    def _wait_prev():
                        pltpu.make_async_copy(
                            ub, ut_hbm.at[p, pl.ds(0, CH)], su
                        ).wait()

                    base = c * CH

                    @plsc.parallel_loop(0, CH // L, 1, unroll=8)
                    def _gather_body(j, base=base, ub=ub):
                        off = j * L
                        idx = idxs[pl.ds(base + off, L)]
                        ub[pl.ds(off, L)] = plsc.load_gather(wrow, [idx])

                    pltpu.async_copy(ub, ut_hbm.at[p, pl.ds(base, CH)], su)
                return carry

            lax.fori_loop(0, NCH // 2, pair_body, 0)
            for ub, su in bufs:
                pltpu.make_async_copy(
                    ub, ut_hbm.at[p, pl.ds(0, CH)], su
                ).wait()

    return sc_kernel(W, tok)


def _tc_expand(ut, fvec, spc, BN):
    P, N = ut.shape
    PA = fvec.shape[1]
    A = PA // P

    def tc_body(ut_ref, fvec_ref, spc_ref, ft_ref, y_ref, e_ref):
        @pl.when(pl.program_id(0) == 0)
        def _build_e():
            col = lax.broadcasted_iota(jnp.int32, (P, PA), 1)
            row = lax.broadcasted_iota(jnp.int32, (P, PA), 0)
            e_ref[...] = jnp.where(
                (col // A) == row,
                jnp.broadcast_to(fvec_ref[...], (P, PA)),
                0.0,
            )

        ut_blk = ut_ref[...]
        fh = (ut_blk >= spc_ref[...]).astype(jnp.float32)
        ft_ref[...] = fh
        y_ref[...] = jax.lax.dot_general(
            e_ref[...], fh * ut_blk,
            (((0,), (0,)), ((), ())),
            precision=jax.lax.Precision.DEFAULT,
            preferred_element_type=jnp.float32,
        )

    return pl.pallas_call(
        tc_body,
        grid=(N // BN,),
        in_specs=[
            pl.BlockSpec((P, BN), lambda i: (0, i)),
            pl.BlockSpec((1, PA), lambda i: (0, 0)),
            pl.BlockSpec((P, 1), lambda i: (0, 0)),
        ],
        out_specs=[
            pl.BlockSpec((P, BN), lambda i: (0, i)),
            pl.BlockSpec((PA, BN), lambda i: (0, i)),
        ],
        out_shape=[
            jax.ShapeDtypeStruct((P, N), jnp.float32),
            jax.ShapeDtypeStruct((PA, N), jnp.float32),
        ],
        scratch_shapes=[pltpu.VMEM((P, PA), jnp.float32)],
    )(ut, fvec, spc)


def kernel(input_ids, W, f, SP):
    P, V = W.shape
    A = f.shape[1]
    tok = input_ids.reshape(-1)
    N = tok.shape[0]

    info = plsc.get_sparse_core_info()
    ut = _sc_gather(W, tok, info.num_cores, info.num_subcores, info.num_lanes)

    fvec = f.reshape(1, P * A)
    spc = SP.reshape(P, 1)
    ft, z = _tc_expand(ut, fvec, spc, BN=2048)
    y = z.reshape(P, A, N).transpose(2, 0, 1)
    return ut.T, ft.T, y

# --- scband reference (transcript-rebuilt; emitter-appended) ---
"""Pipeline reference for scband-cepta-embedding-16234976379532 (READ-ONLY COPY).

The authoritative reference and input builder live on the scoring server;
editing this copy changes nothing except your own understanding.
"""

import jax, jax.numpy as jnp
import numpy as np

P = 64
V = 100000
A = 16
B = 1024
T = 20


def setup_inputs(seed: int = 0) -> dict:
    key = jax.random.key(seed)
    k1, k2, k3 = jax.random.split(key, 3)
    input_ids = jax.random.randint(k1, (B, T), 0, V, dtype=jnp.int32)
    # xavier_uniform-style init for W (P, V) and f (P, A)
    limW = np.sqrt(6.0 / (P + V))
    W = jax.random.uniform(k2, (P, V), dtype=jnp.float32, minval=-limW, maxval=limW)
    limf = np.sqrt(6.0 / (P + A))
    f = jax.random.uniform(k3, (P, A), dtype=jnp.float32, minval=-limf, maxval=limf)
    SP = jnp.zeros((P,), dtype=jnp.float32)
    return {"input_ids": input_ids, "W": W, "f": f, "SP": SP}


def reference(input_ids, W, f, SP):
    # CeptaEmbedding forward, use_index=True, gate='hard'
    # flatten (B, T) -> (B*T,)
    tok = input_ids.reshape(-1)
    # U[b*, p] = W[p, tok[b*]]  : gather columns of W then transpose
    U = jnp.take(W, tok, axis=1).T  # (B*T, P)
    # hard gate, detached (stop_gradient) exactly like Fhard.detach() in torch
    Fhard = jax.lax.stop_gradient((U >= SP[None, :]).astype(jnp.float32))
    t = Fhard * U  # (B*T, P)
    # Y = t outer f : (B*T, P, A)
    Y = t[:, :, None] * f[None, :, :]
    return U, Fhard.astype(Y.dtype), Y

if __name__ == "__main__":
    import jax
    _d = setup_inputs()
    print(jax.jit(kernel)(*tuple(_d.values())))

</pallas_src>

<mosaic_0001>
#map = affine_map<(d0, d1) -> (0, 0)>
#map1 = affine_map<(d0, d1) -> (0)>
module attributes {stable_mosaic.version = 14 : i64} {
  func.func @sc_kernel(%arg0: i32, %arg1: i32, %arg2: memref<64x100000xf32, #tpu.memory_space<hbm>>, %arg3: memref<20480xi32, #tpu.memory_space<hbm>>, %arg4: memref<64x20480xf32, #tpu.memory_space<hbm>>, %arg5: memref<100000xf32, #tpu.memory_space<vmem>>, %arg6: memref<20480xi32, #tpu.memory_space<vmem>>, %arg7: memref<2048xf32, #tpu.memory_space<vmem>>, %arg8: memref<2048xf32, #tpu.memory_space<vmem>>, %arg9: memref<!tpu.dma_semaphore, #tpu.memory_space<semaphore_mem>>, %arg10: memref<!tpu.dma_semaphore, #tpu.memory_space<semaphore_mem>>) attributes {dimension_semantics = [#tpu.dimension_semantics<core_parallel>, #tpu.dimension_semantics<subcore_parallel>], iteration_bounds = array<i64: 2, 16>, scalar_prefetch = 0 : i64, scratch_operands = 6 : i64, tpu.core_type = #tpu.core_type<sc_vector_subcore>, window_params = [{transform_indices = #map}, {transform_indices = #map1}, {transform_indices = #map}]} {
    %mul3A = arith.constant 2 : i32
    %mul3A_0 = arith.muli %arg1, %mul3A : i32
    %add3A = arith.addi %mul3A_0, %arg0 : i32
    "tpu.region"() ({
      %run_scoped3A = tpu.sem_alloc : memref<!tpu.dma_semaphore, #tpu.memory_space<semaphore_mem>>
      tpu.enqueue_dma source(%arg3 : memref<20480xi32, #tpu.memory_space<hbm>>) target(%arg6 : memref<20480xi32, #tpu.memory_space<vmem>>) target_semaphore(%run_scoped3A : memref<!tpu.dma_semaphore, #tpu.memory_space<semaphore_mem>>)
      tpu.wait_dma2 semaphore(%run_scoped3A : memref<!tpu.dma_semaphore, #tpu.memory_space<semaphore_mem>>) src(%arg3 : memref<20480xi32, #tpu.memory_space<hbm>>) dst(%arg6 : memref<20480xi32, #tpu.memory_space<vmem>>)
      tpu.yield
    }) : () -> ()
    %mul3A_1 = arith.constant 2 : i32
    %mul3A_2 = arith.muli %add3A, %mul3A_1 : i32
    %add3A_3 = arith.constant 0 : i32
    %add3A_4 = arith.addi %mul3A_2, %add3A_3 : i32
    "tpu.region"() ({
      %run_scoped3A = tpu.sem_alloc : memref<!tpu.dma_semaphore, #tpu.memory_space<semaphore_mem>>
      %dma_start3A = arith.constant 0 : i32
      %dma_start3A_43 = tpu.memref_slice %arg2[%add3A_4, %dma_start3A] : memref<64x100000xf32, #tpu.memory_space<hbm>> -> memref<1x100000xf32, #tpu.memory_space<hbm>>
      %dma_start3A_44 = tpu.memref_squeeze %dma_start3A_43 : memref<1x100000xf32, #tpu.memory_space<hbm>> -> memref<100000xf32, #tpu.memory_space<hbm>>
      %dma_start3A_45 = arith.constant 0 : i32
      %dma_start3A_46 = tpu.memref_slice %arg2[%add3A_4, %dma_start3A_45] : memref<64x100000xf32, #tpu.memory_space<hbm>> -> memref<1x100000xf32, #tpu.memory_space<hbm>>
      %dma_start3A_47 = tpu.memref_squeeze %dma_start3A_46 : memref<1x100000xf32, #tpu.memory_space<hbm>> -> memref<100000xf32, #tpu.memory_space<hbm>>
      tpu.enqueue_dma source(%dma_start3A_47 : memref<100000xf32, #tpu.memory_space<hbm>>) target(%arg5 : memref<100000xf32, #tpu.memory_space<vmem>>) target_semaphore(%run_scoped3A : memref<!tpu.dma_semaphore, #tpu.memory_space<semaphore_mem>>)
      %dma_wait3A_48 = arith.constant 0 : i32
      %dma_wait3A_49 = tpu.memref_slice %arg2[%add3A_4, %dma_wait3A_48] : memref<64x100000xf32, #tpu.memory_space<hbm>> -> memref<1x100000xf32, #tpu.memory_space<hbm>>
      %dma_wait3A_50 = tpu.memref_squeeze %dma_wait3A_49 : memref<1x100000xf32, #tpu.memory_space<hbm>> -> memref<100000xf32, #tpu.memory_space<hbm>>
      %dma_wait3A_51 = arith.constant 0 : i32
      %dma_wait3A_52 = tpu.memref_slice %arg2[%add3A_4, %dma_wait3A_51] : memref<64x100000xf32, #tpu.memory_space<hbm>> -> memref<1x100000xf32, #tpu.memory_space<hbm>>
      %dma_wait3A_53 = tpu.memref_squeeze %dma_wait3A_52 : memref<1x100000xf32, #tpu.memory_space<hbm>> -> memref<100000xf32, #tpu.memory_space<hbm>>
      tpu.wait_dma2 semaphore(%run_scoped3A : memref<!tpu.dma_semaphore, #tpu.memory_space<semaphore_mem>>) src(%dma_wait3A_53 : memref<100000xf32, #tpu.memory_space<hbm>>) dst(%arg5 : memref<100000xf32, #tpu.memory_space<vmem>>)
      tpu.yield
    }) : () -> ()
    %scan3A = arith.constant 0 : i32
    %scan3A_5 = arith.constant 0 : i32
    %scan3A_6 = arith.constant 5 : i32
    %scan3A_7 = arith.addi %scan3A_5, %scan3A_6 : i32
    %scan3A_8 = arith.constant 1 : i32
    scf.for %scan3A_43 = %scan3A_5 to %scan3A_7 step %scan3A_8  : i32 {
      %mul3A_44 = arith.constant 2 : i32
      %mul3A_45 = arith.muli %scan3A_43, %mul3A_44 : i32
      %add3A_46 = arith.constant 0 : i32
      %add3A_47 = arith.addi %mul3A_45, %add3A_46 : i32
      %gt3A = arith.constant 0 : i32
      %gt3A_48 = arith.cmpi sgt, %scan3A_43, %gt3A : i32
      %convert_element_type3A = arith.extui %gt3A_48 : i1 to i32
      %cond3A = arith.constant 0 : i32
      %cond3A_49 = arith.cmpi ne, %convert_element_type3A, %cond3A : i32
      scf.if %cond3A_49 {
        %dma_wait3A_75 = arith.constant 0 : i32
        %dma_wait3A_76 = tpu.memref_slice %arg4[%add3A_4, %dma_wait3A_75] : memref<64x20480xf32, #tpu.memory_space<hbm>> -> memref<1x2048xf32, #tpu.memory_space<hbm>>
        %dma_wait3A_77 = tpu.memref_squeeze %dma_wait3A_76 : memref<1x2048xf32, #tpu.memory_space<hbm>> -> memref<2048xf32, #tpu.memory_space<hbm>>
        %dma_wait3A_78 = arith.constant 0 : i32
        %dma_wait3A_79 = tpu.memref_slice %arg4[%add3A_4, %dma_wait3A_78] : memref<64x20480xf32, #tpu.memory_space<hbm>> -> memref<1x2048xf32, #tpu.memory_space<hbm>>
        %dma_wait3A_80 = tpu.memref_squeeze %dma_wait3A_79 : memref<1x2048xf32, #tpu.memory_space<hbm>> -> memref<2048xf32, #tpu.memory_space<hbm>>
        tpu.wait_dma2 semaphore(%arg9 : memref<!tpu.dma_semaphore, #tpu.memory_space<semaphore_mem>>) src(%arg7 : memref<2048xf32, #tpu.memory_space<vmem>>) dst(%dma_wait3A_80 : memref<2048xf32, #tpu.memory_space<hbm>>)
      } else {
      }
      %mul3A_50 = arith.constant 2048 : i32
      %mul3A_51 = arith.muli %add3A_47, %mul3A_50 : i32
      %parallel_loop3A = arith.constant 0 : i32
      %parallel_loop3A_52 = arith.constant 128 : i32
      %parallel_loop3A_53 = arith.constant 1 : i32
      scf.for %parallel_loop3A_75 = %parallel_loop3A to %parallel_loop3A_52 step %parallel_loop3A_53  : i32 {
        %parallel_loop3A_76 = arith.constant 16 : i32
        %parallel_loop3A_77 = arith.muli %parallel_loop3A_75, %parallel_loop3A_76 : i32
        %parallel_loop3A_78 = arith.addi %mul3A_51, %parallel_loop3A_77 : i32
        %parallel_loop3A_79 = arith.index_cast %parallel_loop3A_78 : i32 to index
        %parallel_loop3A_80 = tpu.vector_load %arg6[%parallel_loop3A_79] {strides = array<i32>} : memref<20480xi32, #tpu.memory_space<vmem>>, vector<16xi32>,
        %parallel_loop3A_81 = tpu.vector_load_idx %arg5[%parallel_loop3A_80] : memref<100000xf32, #tpu.memory_space<vmem>>[vector<16xi32>], vector<16xf32>,
        %parallel_loop3A_82 = arith.index_cast %parallel_loop3A_77 : i32 to index
        %parallel_loop3A_83 = tpu.vector_load %arg7[%parallel_loop3A_82] {strides = array<i32>} : memref<2048xf32, #tpu.memory_space<vmem>>, vector<16xf32>,
        tpu.vector_store %arg7[%parallel_loop3A_82], %parallel_loop3A_81 {strides = array<i32>} : memref<2048xf32, #tpu.memory_space<vmem>>, vector<16xf32>,
      } {sc.loop_unroll_factor = 8 : i64, sc.parallel_access}
      %dma_start3A = tpu.memref_slice %arg4[%add3A_4, %mul3A_51] : memref<64x20480xf32, #tpu.memory_space<hbm>> -> memref<1x2048xf32, #tpu.memory_space<hbm>>
      %dma_start3A_54 = tpu.memref_squeeze %dma_start3A : memref<1x2048xf32, #tpu.memory_space<hbm>> -> memref<2048xf32, #tpu.memory_space<hbm>>
      %dma_start3A_55 = tpu.memref_slice %arg4[%add3A_4, %mul3A_51] : memref<64x20480xf32, #tpu.memory_space<hbm>> -> memref<1x2048xf32, #tpu.memory_space<hbm>>
      %dma_start3A_56 = tpu.memref_squeeze %dma_start3A_55 : memref<1x2048xf32, #tpu.memory_space<hbm>> -> memref<2048xf32, #tpu.memory_space<hbm>>
      tpu.enqueue_dma source(%arg7 : memref<2048xf32, #tpu.memory_space<vmem>>) target(%dma_start3A_56 : memref<2048xf32, #tpu.memory_space<hbm>>) target_semaphore(%arg9 : memref<!tpu.dma_semaphore, #tpu.memory_space<semaphore_mem>>)
      %mul3A_57 = arith.constant 2 : i32
      %mul3A_58 = arith.muli %scan3A_43, %mul3A_57 : i32
      %add3A_59 = arith.constant 1 : i32
      %add3A_60 = arith.addi %mul3A_58, %add3A_59 : i32
      %gt3A_61 = arith.constant 0 : i32
      %gt3A_62 = arith.cmpi sgt, %scan3A_43, %gt3A_61 : i32
      %convert_element_type3A_63 = arith.extui %gt3A_62 : i1 to i32
      %cond3A_64 = arith.constant 0 : i32
      %cond3A_65 = arith.cmpi ne, %convert_element_type3A_63, %cond3A_64 : i32
      scf.if %cond3A_65 {
        %dma_wait3A_75 = arith.constant 0 : i32
        %dma_wait3A_76 = tpu.memref_slice %arg4[%add3A_4, %dma_wait3A_75] : memref<64x20480xf32, #tpu.memory_space<hbm>> -> memref<1x2048xf32, #tpu.memory_space<hbm>>
        %dma_wait3A_77 = tpu.memref_squeeze %dma_wait3A_76 : memref<1x2048xf32, #tpu.memory_space<hbm>> -> memref<2048xf32, #tpu.memory_space<hbm>>
        %dma_wait3A_78 = arith.constant 0 : i32
        %dma_wait3A_79 = tpu.memref_slice %arg4[%add3A_4, %dma_wait3A_78] : memref<64x20480xf32, #tpu.memory_space<hbm>> -> memref<1x2048xf32, #tpu.memory_space<hbm>>
        %dma_wait3A_80 = tpu.memref_squeeze %dma_wait3A_79 : memref<1x2048xf32, #tpu.memory_space<hbm>> -> memref<2048xf32, #tpu.memory_space<hbm>>
        tpu.wait_dma2 semaphore(%arg10 : memref<!tpu.dma_semaphore, #tpu.memory_space<semaphore_mem>>) src(%arg8 : memref<2048xf32, #tpu.memory_space<vmem>>) dst(%dma_wait3A_80 : memref<2048xf32, #tpu.memory_space<hbm>>)
      } else {
      }
      %mul3A_66 = arith.constant 2048 : i32
      %mul3A_67 = arith.muli %add3A_60, %mul3A_66 : i32
      %parallel_loop3A_68 = arith.constant 0 : i32
      %parallel_loop3A_69 = arith.constant 128 : i32
      %parallel_loop3A_70 = arith.constant 1 : i32
      scf.for %parallel_loop3A_75 = %parallel_loop3A_68 to %parallel_loop3A_69 step %parallel_loop3A_70  : i32 {
        %parallel_loop3A_76 = arith.constant 16 : i32
        %parallel_loop3A_77 = arith.muli %parallel_loop3A_75, %parallel_loop3A_76 : i32
        %parallel_loop3A_78 = arith.addi %mul3A_67, %parallel_loop3A_77 : i32
        %parallel_loop3A_79 = arith.index_cast %parallel_loop3A_78 : i32 to index
        %parallel_loop3A_80 = tpu.vector_load %arg6[%parallel_loop3A_79] {strides = array<i32>} : memref<20480xi32, #tpu.memory_space<vmem>>, vector<16xi32>,
        %parallel_loop3A_81 = tpu.vector_load_idx %arg5[%parallel_loop3A_80] : memref<100000xf32, #tpu.memory_space<vmem>>[vector<16xi32>], vector<16xf32>,
        %parallel_loop3A_82 = arith.index_cast %parallel_loop3A_77 : i32 to index
        %parallel_loop3A_83 = tpu.vector_load %arg8[%parallel_loop3A_82] {strides = array<i32>} : memref<2048xf32, #tpu.memory_space<vmem>>, vector<16xf32>,
        tpu.vector_store %arg8[%parallel_loop3A_82], %parallel_loop3A_81 {strides = array<i32>} : memref<2048xf32, #tpu.memory_space<vmem>>, vector<16xf32>,
      } {sc.loop_unroll_factor = 8 : i64, sc.parallel_access}
      %dma_start3A_71 = tpu.memref_slice %arg4[%add3A_4, %mul3A_67] : memref<64x20480xf32, #tpu.memory_space<hbm>> -> memref<1x2048xf32, #tpu.memory_space<hbm>>
      %dma_start3A_72 = tpu.memref_squeeze %dma_start3A_71 : memref<1x2048xf32, #tpu.memory_space<hbm>> -> memref<2048xf32, #tpu.memory_space<hbm>>
      %dma_start3A_73 = tpu.memref_slice %arg4[%add3A_4, %mul3A_67] : memref<64x20480xf32, #tpu.memory_space<hbm>> -> memref<1x2048xf32, #tpu.memory_space<hbm>>
      %dma_start3A_74 = tpu.memref_squeeze %dma_start3A_73 : memref<1x2048xf32, #tpu.memory_space<hbm>> -> memref<2048xf32, #tpu.memory_space<hbm>>
      tpu.enqueue_dma source(%arg8 : memref<2048xf32, #tpu.memory_space<vmem>>) target(%dma_start3A_74 : memref<2048xf32, #tpu.memory_space<hbm>>) target_semaphore(%arg10 : memref<!tpu.dma_semaphore, #tpu.memory_space<semaphore_mem>>)
    }
    %scan3A_9 = arith.constant 5 : i32
    %dma_wait3A = arith.constant 0 : i32
    %dma_wait3A_10 = tpu.memref_slice %arg4[%add3A_4, %dma_wait3A] : memref<64x20480xf32, #tpu.memory_space<hbm>> -> memref<1x2048xf32, #tpu.memory_space<hbm>>
    %dma_wait3A_11 = tpu.memref_squeeze %dma_wait3A_10 : memref<1x2048xf32, #tpu.memory_space<hbm>> -> memref<2048xf32, #tpu.memory_space<hbm>>
    %dma_wait3A_12 = arith.constant 0 : i32
    %dma_wait3A_13 = tpu.memref_slice %arg4[%add3A_4, %dma_wait3A_12] : memref<64x20480xf32, #tpu.memory_space<hbm>> -> memref<1x2048xf32, #tpu.memory_space<hbm>>
    %dma_wait3A_14 = tpu.memref_squeeze %dma_wait3A_13 : memref<1x2048xf32, #tpu.memory_space<hbm>> -> memref<2048xf32, #tpu.memory_space<hbm>>
    tpu.wait_dma2 semaphore(%arg9 : memref<!tpu.dma_semaphore, #tpu.memory_space<semaphore_mem>>) src(%arg7 : memref<2048xf32, #tpu.memory_space<vmem>>) dst(%dma_wait3A_14 : memref<2048xf32, #tpu.memory_space<hbm>>)
    %dma_wait3A_15 = arith.constant 0 : i32
    %dma_wait3A_16 = tpu.memref_slice %arg4[%add3A_4, %dma_wait3A_15] : memref<64x20480xf32, #tpu.memory_space<hbm>> -> memref<1x2048xf32, #tpu.memory_space<hbm>>
    %dma_wait3A_17 = tpu.memref_squeeze %dma_wait3A_16 : memref<1x2048xf32, #tpu.memory_space<hbm>> -> memref<2048xf32, #tpu.memory_space<hbm>>
    %dma_wait3A_18 = arith.constant 0 : i32
    %dma_wait3A_19 = tpu.memref_slice %arg4[%add3A_4, %dma_wait3A_18] : memref<64x20480xf32, #tpu.memory_space<hbm>> -> memref<1x2048xf32, #tpu.memory_space<hbm>>
    %dma_wait3A_20 = tpu.memref_squeeze %dma_wait3A_19 : memref<1x2048xf32, #tpu.memory_space<hbm>> -> memref<2048xf32, #tpu.memory_space<hbm>>
    tpu.wait_dma2 semaphore(%arg10 : memref<!tpu.dma_semaphore, #tpu.memory_space<semaphore_mem>>) src(%arg8 : memref<2048xf32, #tpu.memory_space<vmem>>) dst(%dma_wait3A_20 : memref<2048xf32, #tpu.memory_space<hbm>>)
    %mul3A_21 = arith.constant 2 : i32
    %mul3A_22 = arith.muli %add3A, %mul3A_21 : i32
    %add3A_23 = arith.constant 1 : i32
    %add3A_24 = arith.addi %mul3A_22, %add3A_23 : i32
    "tpu.region"() ({
      %run_scoped3A = tpu.sem_alloc : memref<!tpu.dma_semaphore, #tpu.memory_space<semaphore_mem>>
      %dma_start3A = arith.constant 0 : i32
      %dma_start3A_43 = tpu.memref_slice %arg2[%add3A_24, %dma_start3A] : memref<64x100000xf32, #tpu.memory_space<hbm>> -> memref<1x100000xf32, #tpu.memory_space<hbm>>
      %dma_start3A_44 = tpu.memref_squeeze %dma_start3A_43 : memref<1x100000xf32, #tpu.memory_space<hbm>> -> memref<100000xf32, #tpu.memory_space<hbm>>
      %dma_start3A_45 = arith.constant 0 : i32
      %dma_start3A_46 = tpu.memref_slice %arg2[%add3A_24, %dma_start3A_45] : memref<64x100000xf32, #tpu.memory_space<hbm>> -> memref<1x100000xf32, #tpu.memory_space<hbm>>
      %dma_start3A_47 = tpu.memref_squeeze %dma_start3A_46 : memref<1x100000xf32, #tpu.memory_space<hbm>> -> memref<100000xf32, #tpu.memory_space<hbm>>
      tpu.enqueue_dma source(%dma_start3A_47 : memref<100000xf32, #tpu.memory_space<hbm>>) target(%arg5 : memref<100000xf32, #tpu.memory_space<vmem>>) target_semaphore(%run_scoped3A : memref<!tpu.dma_semaphore, #tpu.memory_space<semaphore_mem>>)
      %dma_wait3A_48 = arith.constant 0 : i32
      %dma_wait3A_49 = tpu.memref_slice %arg2[%add3A_24, %dma_wait3A_48] : memref<64x100000xf32, #tpu.memory_space<hbm>> -> memref<1x100000xf32, #tpu.memory_space<hbm>>
      %dma_wait3A_50 = tpu.memref_squeeze %dma_wait3A_49 : memref<1x100000xf32, #tpu.memory_space<hbm>> -> memref<100000xf32, #tpu.memory_space<hbm>>
      %dma_wait3A_51 = arith.constant 0 : i32
      %dma_wait3A_52 = tpu.memref_slice %arg2[%add3A_24, %dma_wait3A_51] : memref<64x100000xf32, #tpu.memory_space<hbm>> -> memref<1x100000xf32, #tpu.memory_space<hbm>>
      %dma_wait3A_53 = tpu.memref_squeeze %dma_wait3A_52 : memref<1x100000xf32, #tpu.memory_space<hbm>> -> memref<100000xf32, #tpu.memory_space<hbm>>
      tpu.wait_dma2 semaphore(%run_scoped3A : memref<!tpu.dma_semaphore, #tpu.memory_space<semaphore_mem>>) src(%dma_wait3A_53 : memref<100000xf32, #tpu.memory_space<hbm>>) dst(%arg5 : memref<100000xf32, #tpu.memory_space<vmem>>)
      tpu.yield
    }) : () -> ()
    %scan3A_25 = arith.constant 0 : i32
    %scan3A_26 = arith.constant 0 : i32
    %scan3A_27 = arith.constant 5 : i32
    %scan3A_28 = arith.addi %scan3A_26, %scan3A_27 : i32
    %scan3A_29 = arith.constant 1 : i32
    scf.for %scan3A_43 = %scan3A_26 to %scan3A_28 step %scan3A_29  : i32 {
      %mul3A_44 = arith.constant 2 : i32
      %mul3A_45 = arith.muli %scan3A_43, %mul3A_44 : i32
      %add3A_46 = arith.constant 0 : i32
      %add3A_47 = arith.addi %mul3A_45, %add3A_46 : i32
      %gt3A = arith.constant 0 : i32
      %gt3A_48 = arith.cmpi sgt, %scan3A_43, %gt3A : i32
      %convert_element_type3A = arith.extui %gt3A_48 : i1 to i32
      %cond3A = arith.constant 0 : i32
      %cond3A_49 = arith.cmpi ne, %convert_element_type3A, %cond3A : i32
      scf.if %cond3A_49 {
        %dma_wait3A_75 = arith.constant 0 : i32
        %dma_wait3A_76 = tpu.memref_slice %arg4[%add3A_24, %dma_wait3A_75] : memref<64x20480xf32, #tpu.memory_space<hbm>> -> memref<1x2048xf32, #tpu.memory_space<hbm>>
        %dma_wait3A_77 = tpu.memref_squeeze %dma_wait3A_76 : memref<1x2048xf32, #tpu.memory_space<hbm>> -> memref<2048xf32, #tpu.memory_space<hbm>>
        %dma_wait3A_78 = arith.constant 0 : i32
        %dma_wait3A_79 = tpu.memref_slice %arg4[%add3A_24, %dma_wait3A_78] : memref<64x20480xf32, #tpu.memory_space<hbm>> -> memref<1x2048xf32, #tpu.memory_space<hbm>>
        %dma_wait3A_80 = tpu.memref_squeeze %dma_wait3A_79 : memref<1x2048xf32, #tpu.memory_space<hbm>> -> memref<2048xf32, #tpu.memory_space<hbm>>
        tpu.wait_dma2 semaphore(%arg9 : memref<!tpu.dma_semaphore, #tpu.memory_space<semaphore_mem>>) src(%arg7 : memref<2048xf32, #tpu.memory_space<vmem>>) dst(%dma_wait3A_80 : memref<2048xf32, #tpu.memory_space<hbm>>)
      } else {
      }
      %mul3A_50 = arith.constant 2048 : i32
      %mul3A_51 = arith.muli %add3A_47, %mul3A_50 : i32
      %parallel_loop3A = arith.constant 0 : i32
      %parallel_loop3A_52 = arith.constant 128 : i32
      %parallel_loop3A_53 = arith.constant 1 : i32
      scf.for %parallel_loop3A_75 = %parallel_loop3A to %parallel_loop3A_52 step %parallel_loop3A_53  : i32 {
        %parallel_loop3A_76 = arith.constant 16 : i32
        %parallel_loop3A_77 = arith.muli %parallel_loop3A_75, %parallel_loop3A_76 : i32
        %parallel_loop3A_78 = arith.addi %mul3A_51, %parallel_loop3A_77 : i32
        %parallel_loop3A_79 = arith.index_cast %parallel_loop3A_78 : i32 to index
        %parallel_loop3A_80 = tpu.vector_load %arg6[%parallel_loop3A_79] {strides = array<i32>} : memref<20480xi32, #tpu.memory_space<vmem>>, vector<16xi32>,
        %parallel_loop3A_81 = tpu.vector_load_idx %arg5[%parallel_loop3A_80] : memref<100000xf32, #tpu.memory_space<vmem>>[vector<16xi32>], vector<16xf32>,
        %parallel_loop3A_82 = arith.index_cast %parallel_loop3A_77 : i32 to index
        %parallel_loop3A_83 = tpu.vector_load %arg7[%parallel_loop3A_82] {strides = array<i32>} : memref<2048xf32, #tpu.memory_space<vmem>>, vector<16xf32>,
        tpu.vector_store %arg7[%parallel_loop3A_82], %parallel_loop3A_81 {strides = array<i32>} : memref<2048xf32, #tpu.memory_space<vmem>>, vector<16xf32>,
      } {sc.loop_unroll_factor = 8 : i64, sc.parallel_access}
      %dma_start3A = tpu.memref_slice %arg4[%add3A_24, %mul3A_51] : memref<64x20480xf32, #tpu.memory_space<hbm>> -> memref<1x2048xf32, #tpu.memory_space<hbm>>
      %dma_start3A_54 = tpu.memref_squeeze %dma_start3A : memref<1x2048xf32, #tpu.memory_space<hbm>> -> memref<2048xf32, #tpu.memory_space<hbm>>
      %dma_start3A_55 = tpu.memref_slice %arg4[%add3A_24, %mul3A_51] : memref<64x20480xf32, #tpu.memory_space<hbm>> -> memref<1x2048xf32, #tpu.memory_space<hbm>>
      %dma_start3A_56 = tpu.memref_squeeze %dma_start3A_55 : memref<1x2048xf32, #tpu.memory_space<hbm>> -> memref<2048xf32, #tpu.memory_space<hbm>>
      tpu.enqueue_dma source(%arg7 : memref<2048xf32, #tpu.memory_space<vmem>>) target(%dma_start3A_56 : memref<2048xf32, #tpu.memory_space<hbm>>) target_semaphore(%arg9 : memref<!tpu.dma_semaphore, #tpu.memory_space<semaphore_mem>>)
      %mul3A_57 = arith.constant 2 : i32
      %mul3A_58 = arith.muli %scan3A_43, %mul3A_57 : i32
      %add3A_59 = arith.constant 1 : i32
      %add3A_60 = arith.addi %mul3A_58, %add3A_59 : i32
      %gt3A_61 = arith.constant 0 : i32
      %gt3A_62 = arith.cmpi sgt, %scan3A_43, %gt3A_61 : i32
      %convert_element_type3A_63 = arith.extui %gt3A_62 : i1 to i32
      %cond3A_64 = arith.constant 0 : i32
      %cond3A_65 = arith.cmpi ne, %convert_element_type3A_63, %cond3A_64 : i32
      scf.if %cond3A_65 {
        %dma_wait3A_75 = arith.constant 0 : i32
        %dma_wait3A_76 = tpu.memref_slice %arg4[%add3A_24, %dma_wait3A_75] : memref<64x20480xf32, #tpu.memory_space<hbm>> -> memref<1x2048xf32, #tpu.memory_space<hbm>>
        %dma_wait3A_77 = tpu.memref_squeeze %dma_wait3A_76 : memref<1x2048xf32, #tpu.memory_space<hbm>> -> memref<2048xf32, #tpu.memory_space<hbm>>
        %dma_wait3A_78 = arith.constant 0 : i32
        %dma_wait3A_79 = tpu.memref_slice %arg4[%add3A_24, %dma_wait3A_78] : memref<64x20480xf32, #tpu.memory_space<hbm>> -> memref<1x2048xf32, #tpu.memory_space<hbm>>
        %dma_wait3A_80 = tpu.memref_squeeze %dma_wait3A_79 : memref<1x2048xf32, #tpu.memory_space<hbm>> -> memref<2048xf32, #tpu.memory_space<hbm>>
        tpu.wait_dma2 semaphore(%arg10 : memref<!tpu.dma_semaphore, #tpu.memory_space<semaphore_mem>>) src(%arg8 : memref<2048xf32, #tpu.memory_space<vmem>>) dst(%dma_wait3A_80 : memref<2048xf32, #tpu.memory_space<hbm>>)
      } else {
      }
      %mul3A_66 = arith.constant 2048 : i32
      %mul3A_67 = arith.muli %add3A_60, %mul3A_66 : i32
      %parallel_loop3A_68 = arith.constant 0 : i32
      %parallel_loop3A_69 = arith.constant 128 : i32
      %parallel_loop3A_70 = arith.constant 1 : i32
      scf.for %parallel_loop3A_75 = %parallel_loop3A_68 to %parallel_loop3A_69 step %parallel_loop3A_70  : i32 {
        %parallel_loop3A_76 = arith.constant 16 : i32
        %parallel_loop3A_77 = arith.muli %parallel_loop3A_75, %parallel_loop3A_76 : i32
        %parallel_loop3A_78 = arith.addi %mul3A_67, %parallel_loop3A_77 : i32
        %parallel_loop3A_79 = arith.index_cast %parallel_loop3A_78 : i32 to index
        %parallel_loop3A_80 = tpu.vector_load %arg6[%parallel_loop3A_79] {strides = array<i32>} : memref<20480xi32, #tpu.memory_space<vmem>>, vector<16xi32>,
        %parallel_loop3A_81 = tpu.vector_load_idx %arg5[%parallel_loop3A_80] : memref<100000xf32, #tpu.memory_space<vmem>>[vector<16xi32>], vector<16xf32>,
        %parallel_loop3A_82 = arith.index_cast %parallel_loop3A_77 : i32 to index
        %parallel_loop3A_83 = tpu.vector_load %arg8[%parallel_loop3A_82] {strides = array<i32>} : memref<2048xf32, #tpu.memory_space<vmem>>, vector<16xf32>,
        tpu.vector_store %arg8[%parallel_loop3A_82], %parallel_loop3A_81 {strides = array<i32>} : memref<2048xf32, #tpu.memory_space<vmem>>, vector<16xf32>,
      } {sc.loop_unroll_factor = 8 : i64, sc.parallel_access}
      %dma_start3A_71 = tpu.memref_slice %arg4[%add3A_24, %mul3A_67] : memref<64x20480xf32, #tpu.memory_space<hbm>> -> memref<1x2048xf32, #tpu.memory_space<hbm>>
      %dma_start3A_72 = tpu.memref_squeeze %dma_start3A_71 : memref<1x2048xf32, #tpu.memory_space<hbm>> -> memref<2048xf32, #tpu.memory_space<hbm>>
      %dma_start3A_73 = tpu.memref_slice %arg4[%add3A_24, %mul3A_67] : memref<64x20480xf32, #tpu.memory_space<hbm>> -> memref<1x2048xf32, #tpu.memory_space<hbm>>
      %dma_start3A_74 = tpu.memref_squeeze %dma_start3A_73 : memref<1x2048xf32, #tpu.memory_space<hbm>> -> memref<2048xf32, #tpu.memory_space<hbm>>
      tpu.enqueue_dma source(%arg8 : memref<2048xf32, #tpu.memory_space<vmem>>) target(%dma_start3A_74 : memref<2048xf32, #tpu.memory_space<hbm>>) target_semaphore(%arg10 : memref<!tpu.dma_semaphore, #tpu.memory_space<semaphore_mem>>)
    }
    %scan3A_30 = arith.constant 5 : i32
    %dma_wait3A_31 = arith.constant 0 : i32
    %dma_wait3A_32 = tpu.memref_slice %arg4[%add3A_24, %dma_wait3A_31] : memref<64x20480xf32, #tpu.memory_space<hbm>> -> memref<1x2048xf32, #tpu.memory_space<hbm>>
    %dma_wait3A_33 = tpu.memref_squeeze %dma_wait3A_32 : memref<1x2048xf32, #tpu.memory_space<hbm>> -> memref<2048xf32, #tpu.memory_space<hbm>>
    %dma_wait3A_34 = arith.constant 0 : i32
    %dma_wait3A_35 = tpu.memref_slice %arg4[%add3A_24, %dma_wait3A_34] : memref<64x20480xf32, #tpu.memory_space<hbm>> -> memref<1x2048xf32, #tpu.memory_space<hbm>>
    %dma_wait3A_36 = tpu.memref_squeeze %dma_wait3A_35 : memref<1x2048xf32, #tpu.memory_space<hbm>> -> memref<2048xf32, #tpu.memory_space<hbm>>
    tpu.wait_dma2 semaphore(%arg9 : memref<!tpu.dma_semaphore, #tpu.memory_space<semaphore_mem>>) src(%arg7 : memref<2048xf32, #tpu.memory_space<vmem>>) dst(%dma_wait3A_36 : memref<2048xf32, #tpu.memory_space<hbm>>)
    %dma_wait3A_37 = arith.constant 0 : i32
    %dma_wait3A_38 = tpu.memref_slice %arg4[%add3A_24, %dma_wait3A_37] : memref<64x20480xf32, #tpu.memory_space<hbm>> -> memref<1x2048xf32, #tpu.memory_space<hbm>>
    %dma_wait3A_39 = tpu.memref_squeeze %dma_wait3A_38 : memref<1x2048xf32, #tpu.memory_space<hbm>> -> memref<2048xf32, #tpu.memory_space<hbm>>
    %dma_wait3A_40 = arith.constant 0 : i32
    %dma_wait3A_41 = tpu.memref_slice %arg4[%add3A_24, %dma_wait3A_40] : memref<64x20480xf32, #tpu.memory_space<hbm>> -> memref<1x2048xf32, #tpu.memory_space<hbm>>
    %dma_wait3A_42 = tpu.memref_squeeze %dma_wait3A_41 : memref<1x2048xf32, #tpu.memory_space<hbm>> -> memref<2048xf32, #tpu.memory_space<hbm>>
    tpu.wait_dma2 semaphore(%arg10 : memref<!tpu.dma_semaphore, #tpu.memory_space<semaphore_mem>>) src(%arg8 : memref<2048xf32, #tpu.memory_space<vmem>>) dst(%dma_wait3A_42 : memref<2048xf32, #tpu.memory_space<hbm>>)
    return
  }
}

module attributes {stable_mosaic.version = 14 : i64} {
  func.func @tc_body(%arg0: i32, %arg1: memref<64x2048xf32, #tpu.memory_space<vmem>>, %arg2: memref<1x1024xf32, #tpu.memory_space<vmem>>, %arg3: memref<64x1xf32, #tpu.memory_space<vmem>>, %arg4: memref<64x2048xf32, #tpu.memory_space<vmem>>, %arg5: memref<1024x2048xf32, #tpu.memory_space<vmem>>, %arg6: memref<64x1024xf32, #tpu.memory_space<vmem>>) attributes {dimension_semantics = [#tpu.dimension_semantics<arbitrary>], iteration_bounds = array<i64: 10>, scalar_prefetch = 0 : i64, scratch_operands = 1 : i64, tpu.core_type = #tpu.core_type<tc>, window_params = [{transform_indices = @transform_0, window_bounds = array<i64: 64, 2048>}, {pipeline_mode = #tpu.pipeline_mode<synchronous>, transform_indices = @transform_1, window_bounds = array<i64: 1, 1024>}, {pipeline_mode = #tpu.pipeline_mode<synchronous>, transform_indices = @transform_2, window_bounds = array<i64: 64, 1>}, {transform_indices = @transform_3, window_bounds = array<i64: 64, 2048>}, {transform_indices = @transform_4, window_bounds = array<i64: 1024, 2048>}]} {
    %eq3A = arith.constant 0 : i32
    %eq3A_0 = arith.cmpi eq, %arg0, %eq3A : i32
    %convert_element_type3A = arith.extui %eq3A_0 : i1 to i32
    %cond3A = arith.constant 0 : i32
    %cond3A_1 = arith.cmpi ne, %convert_element_type3A, %cond3A : i32
    scf.if %cond3A_1 {
      %iota3A = tpu.iota {dimensions = array<i32: 1>} : vector<64x1024xi32>
      %iota3A_19 = tpu.iota {dimensions = array<i32: 0>} : vector<64x1024xi32>
      %jit3A = arith.constant 16 : i32
      %div3A = vector.broadcast %jit3A : i32 to vector<64x1024xi32>
      %div3A_20 = arith.divsi %iota3A, %div3A : vector<64x1024xi32>
      %sign3A = arith.constant 0 : i32
      %sign3A_21 = vector.broadcast %sign3A : i32 to vector<64x1024xi32>
      %sign3A_22 = arith.cmpi sgt, %iota3A, %sign3A_21 : vector<64x1024xi32>
      %sign3A_23 = arith.extui %sign3A_22 : vector<64x1024xi1> to vector<64x1024xi32>
      %sign3A_24 = arith.constant 0 : i32
      %sign3A_25 = vector.broadcast %sign3A_24 : i32 to vector<64x1024xi32>
      %sign3A_26 = arith.cmpi slt, %iota3A, %sign3A_25 : vector<64x1024xi32>
      %sign3A_27 = arith.extui %sign3A_26 : vector<64x1024xi1> to vector<64x1024xi32>
      %sign3A_28 = arith.subi %sign3A_23, %sign3A_27 : vector<64x1024xi32>
      %sign3A_29 = arith.constant 0 : i32
      %sign3A_30 = arith.cmpi sgt, %jit3A, %sign3A_29 : i32
      %sign3A_31 = arith.extui %sign3A_30 : i1 to i32
      %sign3A_32 = arith.constant 0 : i32
      %sign3A_33 = arith.cmpi slt, %jit3A, %sign3A_32 : i32
      %sign3A_34 = arith.extui %sign3A_33 : i1 to i32
      %sign3A_35 = arith.subi %sign3A_31, %sign3A_34 : i32
      %ne3A = vector.broadcast %sign3A_35 : i32 to vector<64x1024xi32>
      %ne3A_36 = arith.cmpi ne, %sign3A_28, %ne3A : vector<64x1024xi32>
      %rem3A = vector.broadcast %jit3A : i32 to vector<64x1024xi32>
      %rem3A_37 = arith.remsi %iota3A, %rem3A : vector<64x1024xi32>
      %ne3A_38 = arith.constant 0 : i32
      %ne3A_39 = vector.broadcast %ne3A_38 : i32 to vector<64x1024xi32>
      %ne3A_40 = arith.cmpi ne, %rem3A_37, %ne3A_39 : vector<64x1024xi32>
      %and3A = arith.andi %ne3A_36, %ne3A_40 : vector<64x1024xi1>
      %sub3A = arith.constant 1 : i32
      %sub3A_41 = vector.broadcast %sub3A : i32 to vector<64x1024xi32>
      %sub3A_42 = arith.subi %div3A_20, %sub3A_41 : vector<64x1024xi32>
      %select_n3A = arith.select %and3A, %sub3A_42, %div3A_20 : vector<64x1024xi1>, vector<64x1024xi32>
      %eq3A_43 = arith.cmpi eq, %select_n3A, %iota3A_19 : vector<64x1024xi32>
      %get3A_44 = arith.constant 0 : index
      %get3A_45 = arith.constant 0 : index
      %get3A_46 = vector.load %arg2[%get3A_44, %get3A_45] : memref<1x1024xf32, #tpu.memory_space<vmem>>, vector<1x1024xf32>
      %broadcast_in_dim3A = vector.shape_cast %get3A_46 : vector<1x1024xf32> to vector<1x1024xf32>
      %broadcast_in_dim3A_47 = vector.broadcast %broadcast_in_dim3A : vector<1x1024xf32> to vector<64x1024xf32>
      %jit3A_48 = arith.constant 0.000000e+00 : f32
      %broadcast_in_dim3A_49 = vector.broadcast %jit3A_48 : f32 to vector<64x1024xf32>
      %select_n3A_50 = arith.select %eq3A_43, %broadcast_in_dim3A_47, %broadcast_in_dim3A_49 : vector<64x1024xi1>, vector<64x1024xf32>
      %swap3A_51 = arith.constant 0 : index
      %swap3A_52 = arith.constant 0 : index
      %swap3A_53 = vector.load %arg6[%swap3A_51, %swap3A_52] : memref<64x1024xf32, #tpu.memory_space<vmem>>, vector<64x1024xf32>
      tpu.vector_store %arg6[%swap3A_51, %swap3A_52], %select_n3A_50 {strides = array<i32>} : memref<64x1024xf32, #tpu.memory_space<vmem>>, vector<64x1024xf32>,
    } else {
    }
    %get3A = arith.constant 0 : index
    %get3A_2 = arith.constant 0 : index
    %get3A_3 = vector.load %arg1[%get3A, %get3A_2] : memref<64x2048xf32, #tpu.memory_space<vmem>>, vector<64x2048xf32>
    %get3A_4 = arith.constant 0 : index
    %get3A_5 = arith.constant 0 : index
    %get3A_6 = vector.load %arg3[%get3A_4, %get3A_5] : memref<64x1xf32, #tpu.memory_space<vmem>>, vector<64x1xf32>
    %ge3A = vector.broadcast %get3A_6 : vector<64x1xf32> to vector<64x2048xf32>
    %ge3A_7 = arith.cmpf oge, %get3A_3, %ge3A : vector<64x2048xf32>
    %convert_element_type3A_8 = arith.extui %ge3A_7 : vector<64x2048xi1> to vector<64x2048xi32>
    %convert_element_type3A_9 = arith.sitofp %convert_element_type3A_8 : vector<64x2048xi32> to vector<64x2048xf32>
    %swap3A = arith.constant 0 : index
    %swap3A_10 = arith.constant 0 : index
    %swap3A_11 = vector.load %arg4[%swap3A, %swap3A_10] : memref<64x2048xf32, #tpu.memory_space<vmem>>, vector<64x2048xf32>
    tpu.vector_store %arg4[%swap3A, %swap3A_10], %convert_element_type3A_9 {strides = array<i32>} : memref<64x2048xf32, #tpu.memory_space<vmem>>, vector<64x2048xf32>,
    %get3A_12 = arith.constant 0 : index
    %get3A_13 = arith.constant 0 : index
    %get3A_14 = vector.load %arg6[%get3A_12, %get3A_13] : memref<64x1024xf32, #tpu.memory_space<vmem>>, vector<64x1024xf32>
    %mul3A = arith.mulf %convert_element_type3A_9, %get3A_3 : vector<64x2048xf32>
    %dot_general3A = arith.constant dense<0.000000e+00> : vector<1024x2048xf32>
    %dot_general3A_15 = tpu.matmul %get3A_14, %mul3A, %dot_general3A {dimension_numbers = #tpu.dot_dimension_numbers<[0], [0], [1], [1], [0, 1, 1, 1], [], []>, transpose_lhs_hint = false} : vector<64x1024xf32>, vector<64x2048xf32>, vector<1024x2048xf32> -> vector<1024x2048xf32>
    %swap3A_16 = arith.constant 0 : index
    %swap3A_17 = arith.constant 0 : index
    %swap3A_18 = vector.load %arg5[%swap3A_16, %swap3A_17] : memref<1024x2048xf32, #tpu.memory_space<vmem>>, vector<1024x2048xf32>
    tpu.vector_store %arg5[%swap3A_16, %swap3A_17], %dot_general3A_15 {strides = array<i32>} : memref<1024x2048xf32, #tpu.memory_space<vmem>>, vector<1024x2048xf32>,
    return
  }
  func.func @transform_0(%arg0: i32) -> (i32, i32) {
    %c0_i32 = arith.constant 0 : i32
    %c0_i32_0 = arith.constant 0 : i32
    return %c0_i32, %arg0 : i32, i32
  }
  func.func @transform_1(%arg0: i32) -> (i32, i32) {
    %c0_i32 = arith.constant 0 : i32
    %c0_i32_0 = arith.constant 0 : i32
    %c0_i32_1 = arith.constant 0 : i32
    return %c0_i32, %c0_i32_0 : i32, i32
  }
  func.func @transform_2(%arg0: i32) -> (i32, i32) {
    %c0_i32 = arith.constant 0 : i32
    %c0_i32_0 = arith.constant 0 : i32
    %c0_i32_1 = arith.constant 0 : i32
    return %c0_i32, %c0_i32_0 : i32, i32
  }
  func.func @transform_3(%arg0: i32) -> (i32, i32) {
    %c0_i32 = arith.constant 0 : i32
    %c0_i32_0 = arith.constant 0 : i32
    return %c0_i32, %arg0 : i32, i32
  }
  func.func @transform_4(%arg0: i32) -> (i32, i32) {
    %c0_i32 = arith.constant 0 : i32
    %c0_i32_0 = arith.constant 0 : i32
    return %c0_i32, %arg0 : i32, i32
  }
}

</mosaic_0001>

<sc_bundles>
// kernel: kernel.4.cloned.1.call-start
scs
__scs_entry_jumppad:
0x0: {  	(pc) =	sbr.rel $0x88, $3  }
0x1: {  	(tag) =	ssettag $0x0;
	lr =	simm.s32 $0x1  }
0x2: {  	[smem:$0x3F9D] =	sst lr;
	_ =	strace $0xD0000000  }
0x3: {  	_ = 	snop  }
0x4: {  	_ = 	snop  }
0x5: {  	_ = 	snop  }
0x6: {  	_ = 	snop  }
0x7: {  	_ = 	snop  }
__scs_overlays_trampoline_lowered:
0x8: {  	[smem:$0x3FAC] =	sst s0  }
0x9: {  	[smem:$0x3FAD] =	sst s1  }
0xa: {  	[smem:$0x3FAE] =	sst s2  }
0xb: {  	[smem:$0x3FAF] =	sst s3  }
0xc: {  	[smem:$0x3FB0] =	sst s4  }
0xd: {  	[smem:$0x3FB1] =	sst s5  }
0xe: {  	[smem:$0x3FB2] =	sst s6  }
0xf: {  	[smem:$0x3FB3] =	sst s7  }
0x10: {  	[smem:$0x3FB4] =	sst s8  }
0x11: {  	[smem:$0x3FB5] =	sst s9;
	s0 =	simm.s32 @!p0 $0x0  }
0x12: {  	s1 =	sld [smem:$0x3F9B];
	s0 =	simm.s32 @p0 $0x1  }
0x13: {  	[smem:$0x3FB6] =	sst s0;
	s0 =	simm.s32 @!p1 $0x0  }
0x14: {  	s2 =	sld [smem:$0x3F9A];
	s0 =	simm.s32 @p1 $0x1  }
0x15: {  	[smem:$0x3FB7] =	sst s0;
	s0 =	simm.s32 @!p2 $0x0  }
0x16: {  	s3 =	sld [smem:$0x3FDB];
	s0 =	simm.s32 @p2 $0x1  }
0x17: {  	s4 =	simm.s32 $0x1BF5;
	[smem:$0x3FB9] =	sst s0  }
0x18: {  	s0 =	sld [smem:$0x3F9C];
	_ =	swait.ge [sflag:s4], $0x0  }
0x19: {  	s7 =	sld [smem:$0x3F9D]  }
0x1a: {  	s8 =	sadd.s32 $0xFFFFE003, lr  }
0x1b: {  	s9 =	sadd.s32 $0xFFFFFEF7, lr;
	s5 =	simm.s32 $0xFFFFFFFF;
	p2 =	slt.u32 s8, $0xFFFFF086  }
0x1c: {  	p1 =	slt.u32 s9, $0xF7A;
	s5 =	simm.s32 @!p2 $0x0  }
0x1d: {  	s5 =	simm.s32 @p1 $0x1;
	p0 =	seq.s32 s7, s2  }
0x1e: {  	s7 =	smul.u32 @!p0 $0xF7A, s2;
	p2 =	seq.s32 @!p0 s5, $0x0  }
0x1f: {  	s9 =	smul.u32 $0xF7A, s1;
	s8 =	simm.s32 @!p0 $0x1BF5;
	p2 =	por !p2, p0  }
0x20: {  	[sflag:s8] =	ssyncset.s32 @!p0 $0xFFFFF086;
	s6 =	sadd.s32 @!p0 s3, s7;
	s7 =	simm.s32 @!p0 $0x108  }
0x21: {  	s3 =	sadd.s32 s3, s9;
	s6 =	sadd.s32 @!p0 $0x88, s6;
	s7 =	simm.s32 @p2 $0x1082  }
0x22: {  	[simem:s7], [sflag:s8] =	dma.local @!p0 [hbm:s6], $0xF7A  }
0x23: {  	s9 =	sor.u32 $0xD0000000, s2;
	s6 =	simm.s32 $0x108;
	_ =	swait.ge @!p0 [sflag:s8], $0x0  }
0x24: {  	s3 =	sadd.s32 $0x88, s3;
	s6 =	simm.s32 @!p1 $0x1082;
	[sflag:s4] =	ssyncset.s32 $0xFFFFF086  }
0x25: {  	[simem:s6], [sflag:s4] =	dma.local [hbm:s3], $0xF7A  }
0x26: {  	[smem:$0x3F9D] =	sst s1;
	(tag) =	ssettag s2;
	_ =	strace s9  }
0x27: {  	s1 =	sld [smem:$0x3FAD]  }
0x28: {  	s2 =	sld [smem:$0x3FAE]  }
0x29: {  	s4 =	sld [smem:$0x3FB0]  }
0x2a: {  	p0 =	seq.s32 s5, $0x0;
	s5 =	sld [smem:$0x3FB1]  }
0x2b: {  	s6 =	sld [smem:$0x3FB2]  }
0x2c: {  	s7 =	sld [smem:$0x3FB3]  }
0x2d: {  	s3 =	simm.s32 $0x108;
	s8 =	sld [smem:$0x3FB4]  }
0x2e: {  	s3 =	simm.s32 @!p0 $0x1082;
	s9 =	sld [smem:$0x3FB5]  }
0x2f: {  	lr =	sadd.s32 s0, s3;
	s0 =	sld [smem:$0x3FAC]  }
0x30: {  	s3 =	sld [smem:$0x3FAF]  }
0x31: {  	[smem:$0x3FB8] =	sst s10  }
0x32: {  	s10 =	sld [smem:$0x3FB6];
	_ =	sdelay $0x3  }
0x33: {  	p0 =	seq.s32 s10, $0x1;
	s10 =	sld [smem:$0x3FB8];
	_ =	sdelay $0x3  }
0x34: {  	[smem:$0x3FB8] =	sst s10  }
0x35: {  	s10 =	sld [smem:$0x3FB7];
	_ =	sdelay $0x3  }
0x36: {  	p1 =	seq.s32 s10, $0x1;
	s10 =	sld [smem:$0x3FB8];
	_ =	sdelay $0x3  }
0x37: {  	[smem:$0x3FB8] =	sst s10  }
0x38: {  	s10 =	sld [smem:$0x3FB9]  }
0x39: {  	_ = 	snop;
	(pc) =	sbr.ind lr, $3  }
0x3a: {  	_ = 	snop  }
0x3b: {  	_ = 	snop  }
0x3c: {  	p2 =	seq.s32 s10, $0x1;
	s10 =	sld [smem:$0x3FB8]  }
0x3d: {  	_ =	shalt  }
0x3e: {  	_ =	shalt  }
0x3f: {  	_ =	shalt  }
0x40: {  	_ =	shalt  }
0x41: {  	_ =	shalt  }
0x42: {  	_ =	shalt  }
0x43: {  	_ =	shalt  }
0x44: {  	_ =	shalt  }
0x45: {  	_ =	shalt  }
0x46: {  	_ =	shalt  }
0x47: {  	_ =	shalt  }
0x48: {  	_ =	shalt  }
0x49: {  	_ =	shalt  }
0x4a: {  	_ =	shalt  }
0x4b: {  	_ =	shalt  }
0x4c: {  	_ =	shalt  }
0x4d: {  	_ =	shalt  }
0x4e: {  	_ =	shalt  }
0x4f: {  	_ =	shalt  }
0x50: {  	_ =	shalt  }
0x51: {  	_ =	shalt  }
0x52: {  	_ =	shalt  }
0x53: {  	_ =	shalt  }
0x54: {  	_ =	shalt  }
0x55: {  	_ =	shalt  }
0x56: {  	_ =	shalt  }
0x57: {  	_ =	shalt  }
0x58: {  	_ =	shalt  }
0x59: {  	_ =	shalt  }
0x5a: {  	_ =	shalt  }
0x5b: {  	_ =	shalt  }
0x5c: {  	_ =	shalt  }
0x5d: {  	_ =	shalt  }
0x5e: {  	_ =	shalt  }
0x5f: {  	_ =	shalt  }
0x60: {  	_ =	shalt  }
0x61: {  	_ =	shalt  }
0x62: {  	_ =	shalt  }
0x63: {  	_ =	shalt  }
0x64: {  	_ =	shalt  }
0x65: {  	_ =	shalt  }
0x66: {  	_ =	shalt  }
0x67: {  	_ =	shalt  }
0x68: {  	_ =	shalt  }
0x69: {  	_ =	shalt  }
0x6a: {  	_ =	shalt  }
0x6b: {  	_ =	shalt  }
0x6c: {  	_ =	shalt  }
0x6d: {  	_ =	shalt  }
0x6e: {  	_ =	shalt  }
0x6f: {  	_ =	shalt  }
0x70: {  	_ =	shalt  }
0x71: {  	_ =	shalt  }
0x72: {  	_ =	shalt  }
0x73: {  	_ =	shalt  }
0x74: {  	_ =	shalt  }
0x75: {  	_ =	shalt  }
0x76: {  	_ =	shalt  }
0x77: {  	_ =	shalt  }
0x78: {  	_ =	shalt  }
0x79: {  	_ =	shalt  }
0x7a: {  	_ =	shalt  }
0x7b: {  	_ =	shalt  }
0x7c: {  	_ =	shalt  }
0x7d: {  	_ =	shalt  }
0x7e: {  	_ =	shalt  }
0x7f: {  	_ =	shalt  }
0x80: {  	_ =	shalt  }
0x81: {  	_ =	shalt  }
0x82: {  	_ =	shalt  }
0x83: {  	_ =	shalt  }
0x84: {  	_ =	shalt  }
0x85: {  	_ =	shalt  }
0x86: {  	_ =	shalt  }
0x87: {  	_ =	shalt  }
.Lfunc_end0:
.L_simem_size_0:
called_computation_lowered:
.L_overlay_start_0:
0x88: {  	s2 =	sld [smem:$0x3FD9]  }
0x89: {  	s3 =	sld [smem:$0x3FFE];
	_ =	sdelay $0x1  }
0x8a: {  	s1 =	srdreg.scid  }
0x8b: {  	s0 =	sand.u32 $0x1, s1  }
0x8c: {  	s15 =	sshll.u32 s0, $0xA;
	s2 =	sadd.s32 s3, s2  }
0x8d: {  	s2 =	sadd.s32 s2, s15  }
0x8e: {  	[smem:$0x3FC4] =	sst s2  }
0x8f: {  	_ = 	snop  }
0x90: {  	s2 =	sld [smem:$0x3FD0];
	_ =	sdelay $0x2  }
0x91: {  	s4 =	simm.s32 $0xA;
	s5 =	simm.s32 $0x10;
	s16 =	sld [smem:$0x3FC8]  }
0x92: {  	[smem:s5], [sflag:s4] =	dma.local [hbm:s2], $0x1  }
0x93: {  	_ =	swait.eq [sflag:s4], $0x1  }
0x94: {  	[sflag:s4] =	ssyncset.done $0x0  }
0x95: {  	s17 =	sld [smem:$0x10];
	[sflag:s4] =	ssyncadd.s32 $0xFFFFFFFF  }
0x96: {  	s18 =	sld [smem:$0x11];
	(tm) =	ssettm $0x1  }
0x97: {  	s19 =	sld [smem:$0x3FFB];
	_ =	sdelay $0x3  }
0x98: {  	_ =	strace s19  }
0x99: {  	s5 =	sld [smem:$0x3FFC];
	_ =	sdelay $0x3  }
0x9a: {  	_ =	strace s5  }
0x9b: {  	s5 =	sld [smem:$0x3FFD];
	_ =	sdelay $0x3  }
0x9c: {  	_ =	strace s5  }
0x9d: {  	_ =	strace $0x8FFFFFFF  }
0x9e: {  	s20 =	sld [smem:$0x3FDB];
	_ =	sdelay $0x1  }
0x9f: {  	s6 =	simm.s32 $_scs_section_size  }
0xa0: {  	s7 =	simm.s32 $_size__tile_overlayer_lowered;
	s8 =	simm.s32 $_tile_overlayer_lowered  }
0xa1: {  	s23 =	simm.s32 $0x1BFF;
	s22 =	sshll.u32 s8, $0x1;
	s5 =	sadd.s32 s6, s20  }
0xa2: {  	s9 =	simm.s32 $0x0;
	s21 =	sshll.u32 s7, $0x1;
	s7 =	sadd.s32 s22, s5  }
0xa3: {  	[timem:s9], [sflag:s23] =	dma.local [hbm:s7], s21  }
0xa4: {  	_ =	swait.ge [sflag:s23], s21  }
0xa5: {  	s6 =	ssub.s32 $0x0, s21;
	[sflag:s23] =	ssyncset.done $0x0  }
0xa6: {  	[sflag:s23] =	ssyncadd.s32 s6;
	_ =	sdelay $0x1  }
0xa7: {  	s24 =	simm.s32 $0x1B8B  }
0xa8: {  	_ =	swait.ge [sflag:s24], $0x1  }
0xa9: {  	[sflag:s24] =	ssyncset.done $0x0  }
0xaa: {  	s25 =	simm.s32 $0x1B8E;
	[sflag:s24] =	ssyncadd.s32 $0xFFFFFFFF  }
0xab: {  	s26 =	simm.s32 $execute0_lowered;
	[smem:$0x3FD2] =	sst s25  }
0xac: {  	s6 =	sshll.u32 s26, $0x1;
	_ =	strace $0x80000046;
	[dreg:$0x1] =	wrdreg $0xFFFFFFFF  }
0xad: {  	s28 =	simm.s32 $_size_execute0_lowered;
	s5 =	sadd.s32 s5, s6;
	[dreg:$0x0] =	wrdreg $0x0  }
0xae: {  	s6 =	sshll.u32 s28, $0x1;
	[dreg:$0x2] =	wrdreg s5  }
0xaf: {  	[dreg:$0x3] =	wrdreg s6  }
0xb0: {  	[dreg:$0x4] =	wrdreg $0xC0  }
0xb1: {  	_ =	task [dreg:s9], $0x5FFFF  }
0xb2: {  	[dreg:$0x1] =	wrdreg $0xFFFFFFFF  }
0xb3: {  	[dreg:$0x0] =	wrdreg $0x60  }
0xb4: {  	[dreg:$0x2] =	wrdreg s16  }
0xb5: {  	[dreg:$0x3] =	wrdreg s18  }
0xb6: {  	[dreg:$0x4] =	wrdreg s17  }
0xb7: {  	[dreg:$0x5] =	wrdreg $0x9  }
0xb8: {  	_ =	task.clear_ibuf [dreg:s9], $0x6FFFF;
	_ =	strace $0x90000046  }
0xb9: {  	s29 =	simm.s32 $0x9;
	_ =	strace $0x80000048  }
0xba: {  	_ =	swait.ge [sflag:s29], $0x1  }
0xbb: {  	[sflag:s29] =	ssyncadd.s32 $0xFFFFFFFF  }
0xbc: {  	_ =	strace $0x90000048  }
0xbd: {  	_ =	sfence  }
0xbe: {  	s30 =	sld [smem:$0x0];
	_ =	sdelay $0x2  }
0xbf: {  	s31 =	sshll.u32 s1, $0xD;
	s1 =	sshrl.u32 s1, $0x2  }
0xc0: {  	s3 =	sand.u32 $0x4000, s31;
	s1 =	sadd.s32 s1, s30  }
0xc1: {  	s0 =	sor.u32 s3, s0;
	s1 =	sshll.u32 s1, $0x11  }
0xc2: {  	s0 =	sor.u32 s1, s0  }
0xc3: {  	s0 =	sadd.s32 $0x8F2B, s0  }
0xc4: {  	[sflag:s0] =	ssyncadd.remote.s32 $0x1  }
0xc5: {  	_ =	sfence.sel $0xFFFF  }
0xc6: {  	[dreg:$0x0] =	wrdreg $0xFFFFFFFF;
	(pc) =	sbr.abs _section_cstart, $3  }
0xc7: {  	[dreg:$0x1] =	wrdreg $0xFFFFFFFF  }
0xc8: {  	_ =	task.clear_ibuf [dreg:s9], $0x2FFFF;
	_ =	strace $0x9FFFFFFF  }
0xc9: {  	(tm) =	ssettm $0x7FFFFFFF  }
tec
execute0_lowered:
.L_overlay_start_1:
0x0: {  	(tag) =	ssettag $0x1  }
0x1: {  	s8 =	rddreg [dreg:$0x0]  }
0x2: {  	s1 =	rddreg [dreg:$0x1]  }
0x3: {  	s3 =	rddreg [dreg:$0x2]  }
0x4: {  	s0 =	rddreg [dreg:$0x3]  }
0x5: {  	s4 =	simm.s32 $0x0;
	s5 =	srdreg.scid;
	s2 =	stileid.u32  }
0x6: {  	s13 =	simm.s32 $0x3;
	s14 =	simm.s32 $0x80;
	s15 =	simm.s32 $0x400  }
0x7: {  	s16 =	simm.s32 $0x1D700;
	s17 =	simm.s32 $0x1DF00;
	s18 =	simm.s32 $0x1  }
0x8: {  	s19 =	simm.s32 $0x2;
	s20 =	simm.s32 $0x0;
	s5 =	sand.u32 $0x1, s5  }
0x9: {  	s6 =	sshll.u32 s2, $0x9;
	s7 =	sshrl.u32 s2, $0x1;
	[smem:$0x7FF] =	sst s4  }
0xa: {  	s9 =	sshll.u32 s5, $0x8;
	s6 =	sand.u32 $0x200, s6;
	s10 =	smul.u32 $0xC3800, s7  }
0xb: {  	s5 =	ssub.s32 $0x2, s5;
	s7 =	smul.u32 $0x28000, s7;
	s6 =	sor.u32 s9, s6  }
0xc: {  	_ =	strace $0x80000047;
	s29 =	sshrl.u32 s5, $0x1;
	s11 =	sor.u32 s10, s6  }
0xd: {  	s12 =	sor.u32 $0x80, s6;
	s9 =	ssub.s32 s5, s29;
	s6 =	sor.u32 s6, s7  }
0xe: {  	s11 =	sshrl.u32 s11, $0x3;
	s10 =	sor.u32 s10, s12;
	s7 =	sor.u32 s12, s7  }
0xf: {  	s30 =	sshrl.u32 s6, $0x3;
	s9 =	smax.u32 s9, $0x1;
	s12 =	simm.s32 $0x18700  }
0x10: {  	s5 =	sadd.s32 s8, s11;
	s10 =	sshrl.u32 s10, $0x3;
	s31 =	sshrl.u32 s7, $0x3  }
0x11: {  	s8 =	sadd.s32 s8, s10;
	s10 =	sadd.s32 s3, s30;
	s11 =	sadd.s32 s3, s31  }
.LBB2_1:
0x12: {  	[tilespmem:s12], [sflag:$0x3] =	stream.linear.gather [hbm4b:s1+s4], $0x5000, $0x38;
	[tilespmem:$0x1E700] =	vst v63  }
0x13: {  	_ =	swait.ge [sflag:s13], $0x5000  }
0x14: {  	[sflag:s13] =	ssyncset.done $0x0  }
0x15: {  	[sflag:s13] =	ssyncadd.s32 $0xFFFFB000  }
0x16: {  	[tilespmem:s4], [sflag:$0x3] =	stream.strided.gather [hbm4b:s5+s14], $0x18700, s15, s14, $0x38;
	[tilespmem:$0x1E700] =	vst v63  }
0x17: {  	_ =	swait.ge [sflag:s13], $0x18700  }
0x18: {  	s21 =	simm.s32 $0x18740;
	[sflag:s13] =	ssyncset.done $0x0  }
0x19: {  	s22 =	simm.s32 $0x18F70;
	s23 =	simm.s32 $0x0;
	[sflag:s13] =	ssyncadd.s32 $0xFFFE7900  }
.LBB2_2:
0x1a: {  	p0 =	seq.s32 s23, $0x0  }
0x1b: {  	s24 =	simm.s32 @!p0 $0x1  }
0x1c: {  	_ =	swait.ge @!p0 [sflag:s24], $0x800  }
0x1d: {  	[sflag:s24] =	ssyncset.done @!p0 $0x0  }
0x1e: {  	[sflag:s24] =	ssyncadd.s32 @!p0 $0xFFFFF800  }
0x1f: {  	v0 =	vld [tilespmem:s21+$0x30]  }
0x20: {  	v1 =	vld [tilespmem:s21+$0xFFFFFFD0]  }
0x21: {  	v2 =	vld [tilespmem:s21+$0xFFFFFFE0]  }
0x22: {  	v3 =	vld [tilespmem:s21+$0xFFFFFFF0]  }
0x23: {  	v6 =	vld [tilespmem:s21+$0x0]  }
0x24: {  	v7 =	vld [tilespmem:s21+$0x10]  }
0x25: {  	v8 =	vld [tilespmem:s21+$0x20]  }
0x26: {  	v9 =	vld [tilespmem:s21+$0xFFFFFFC0]  }
0x27: {  	v10 =	vld.idx.msk [tilespmem:v0+s4+$0x0], $0xffff  }
0x28: {  	v11 =	vld.idx.msk [tilespmem:v1+s4+$0x0], $0xffff  }
0x29: {  	v5 =	vld.idx.msk [tilespmem:v2+s4+$0x0], $0xffff  }
0x2a: {  	v4 =	vld.idx.msk [tilespmem:v3+s4+$0x0], $0xffff  }
0x2b: {  	v2 =	vld.idx.msk [tilespmem:v6+s4+$0x0], $0xffff  }
0x2c: {  	s25 =	simm.s32 $0x1D740;
	v1 =	vld.idx.msk [tilespmem:v7+s4+$0x0], $0xffff  }
0x2d: {  	v0 =	vld.idx.msk [tilespmem:v8+s4+$0x0], $0xffff;
	[tilespmem:s25+$0x30] =	vst v10  }
0x2e: {  	s26 =	simm.s32 $0x0;
	s28 =	sadd.s32 $0x80, s21;
	s24 =	sshll.u32 s23, $0xC;
	v3 =	vld.idx.msk [tilespmem:v9+s4+$0x0], $0xffff;
	[tilespmem:s25+$0xFFFFFFD0] =	vst v11  }
.LBB2_3:
0x2f: {  	v6 =	vld [tilespmem:s28+$0x30];
	s26 =	sadd.s32 $0x8, s26;
	[tilespmem:s25+$0xFFFFFFE0] =	vst v5  }
0x30: {  	v5 =	vld [tilespmem:s28+$0xFFFFFFD0];
	p1 =	slt.u32 s26, $0x78;
	[tilespmem:s25+$0xFFFFFFF0] =	vst v4  }
0x31: {  	v4 =	vld [tilespmem:s28+$0xFFFFFFE0];
	[tilespmem:s25+$0x0] =	vst v2  }
0x32: {  	v2 =	vld [tilespmem:s28+$0xFFFFFFF0];
	[tilespmem:s25+$0x10] =	vst v1  }
0x33: {  	v1 =	vld [tilespmem:s28+$0x0];
	[tilespmem:s25+$0x20] =	vst v0  }
0x34: {  	v0 =	vld [tilespmem:s28+$0x10];
	[tilespmem:s25+$0xFFFFFFC0] =	vst v3  }
0x35: {  	v3 =	vld [tilespmem:s28+$0x20]  }
0x36: {  	v7 =	vld [tilespmem:s28+$0xFFFFFFC0]  }
0x37: {  	v6 =	vld.idx.msk [tilespmem:v6+s4+$0x0], $0xffff  }
0x38: {  	v8 =	vld.idx.msk [tilespmem:v5+s4+$0x0], $0xffff  }
0x39: {  	v5 =	vld.idx.msk [tilespmem:v4+s4+$0x0], $0xffff  }
.Ltmp0:
0x3a: {  	v4 =	vld.idx.msk [tilespmem:v2+s4+$0x0], $0xffff;
	(pc) =	sbr.rel @p1 .LBB2_3-.Ltmp0, $4  }
0x3b: {  	v2 =	vld.idx.msk [tilespmem:v1+s4+$0x0], $0xffff  }
0x3c: {  	s25 =	sadd.s32 $0x80, s25;
	v1 =	vld.idx.msk [tilespmem:v0+s4+$0x0], $0xffff  }
0x3d: {  	v0 =	vld.idx.msk [tilespmem:v3+s4+$0x0], $0xffff;
	[tilespmem:s25+$0x30] =	vst v6  }
0x3e: {  	s28 =	sadd.s32 $0x80, s28;
	v3 =	vld.idx.msk [tilespmem:v7+s4+$0x0], $0xffff;
	[tilespmem:s25+$0xFFFFFFD0] =	vst v8  }
0x3f: {  	[tilespmem:s25+$0xFFFFFFE0] =	vst v5  }
0x40: {  	[tilespmem:s25+$0xFFFFFFF0] =	vst v4  }
0x41: {  	s26 =	sshll.u32 s23, $0xF;
	[tilespmem:s25+$0x0] =	vst v2  }
0x42: {  	s26 =	sadd.s32 s6, s26;
	[tilespmem:s25+$0x10] =	vst v1  }
0x43: {  	s26 =	sshrl.u32 s26, $0x3;
	[tilespmem:s25+$0x20] =	vst v0  }
0x44: {  	s31 =	sadd.s32 s3, s26;
	[tilespmem:s25+$0xFFFFFFC0] =	vst v3;
	s25 =	simm.s32 @!p0 $0x2  }
0x45: {  	[hbm4b:s31+s14] =	stream.strided.scatter [tilespmem:s16], [sflag:$0x1], $0x800, s15, s14, $0x38;
	[tilespmem:$0x1E700] =	vst v63  }
0x46: {  	_ =	swait.ge @!p0 [sflag:s25], $0x800  }
0x47: {  	[sflag:s25] =	ssyncset.done @!p0 $0x0  }
0x48: {  	[sflag:s25] =	ssyncadd.s32 @!p0 $0xFFFFF800  }
0x49: {  	v0 =	vld [tilespmem:s22+$0x0]  }
0x4a: {  	v1 =	vld [tilespmem:s22+$0xFFFFFFA0]  }
0x4b: {  	v2 =	vld [tilespmem:s22+$0xFFFFFFB0]  }
0x4c: {  	v3 =	vld [tilespmem:s22+$0xFFFFFFC0]  }
0x4d: {  	v5 =	vld [tilespmem:s22+$0xFFFFFFD0]  }
0x4e: {  	v6 =	vld [tilespmem:s22+$0xFFFFFFE0]  }
0x4f: {  	v7 =	vld [tilespmem:s22+$0xFFFFFFF0]  }
0x50: {  	v8 =	vld [tilespmem:s22+$0xFFFFFF90]  }
0x51: {  	v9 =	vld.idx.msk [tilespmem:v0+s4+$0x0], $0xffff  }
0x52: {  	v10 =	vld.idx.msk [tilespmem:v1+s4+$0x0], $0xffff  }
0x53: {  	v4 =	vld.idx.msk [tilespmem:v2+s4+$0x0], $0xffff  }
0x54: {  	v3 =	vld.idx.msk [tilespmem:v3+s4+$0x0], $0xffff  }
0x55: {  	v0 =	vld.idx.msk [tilespmem:v5+s4+$0x0], $0xffff  }
0x56: {  	s25 =	simm.s32 $0x1DF40;
	v1 =	vld.idx.msk [tilespmem:v6+s4+$0x0], $0xffff  }
0x57: {  	v2 =	vld.idx.msk [tilespmem:v7+s4+$0x0], $0xffff;
	[tilespmem:s25+$0x30] =	vst v9  }
0x58: {  	s24 =	sor.u32 $0x800, s24;
	s28 =	sadd.s32 $0x80, s22;
	s26 =	simm.s32 $0x0;
	v5 =	vld.idx.msk [tilespmem:v8+s4+$0x0], $0xffff;
	[tilespmem:s25+$0xFFFFFFD0] =	vst v10  }
.LBB2_5:
0x59: {  	v6 =	vld [tilespmem:s28+$0x0];
	s26 =	sadd.s32 $0x8, s26;
	[tilespmem:s25+$0xFFFFFFE0] =	vst v4  }
0x5a: {  	v4 =	vld [tilespmem:s28+$0xFFFFFFA0];
	p0 =	slt.u32 s26, $0x78;
	[tilespmem:s25+$0xFFFFFFF0] =	vst v3  }
0x5b: {  	v3 =	vld [tilespmem:s28+$0xFFFFFFB0];
	[tilespmem:s25+$0x0] =	vst v0  }
0x5c: {  	v0 =	vld [tilespmem:s28+$0xFFFFFFC0];
	[tilespmem:s25+$0x10] =	vst v1  }
0x5d: {  	v1 =	vld [tilespmem:s28+$0xFFFFFFD0];
	[tilespmem:s25+$0x20] =	vst v2  }
0x5e: {  	v2 =	vld [tilespmem:s28+$0xFFFFFFE0];
	[tilespmem:s25+$0xFFFFFFC0] =	vst v5  }
0x5f: {  	v5 =	vld [tilespmem:s28+$0xFFFFFFF0]  }
0x60: {  	v7 =	vld [tilespmem:s28+$0xFFFFFF90]  }
0x61: {  	v6 =	vld.idx.msk [tilespmem:v6+s4+$0x0], $0xffff  }
0x62: {  	v8 =	vld.idx.msk [tilespmem:v4+s4+$0x0], $0xffff  }
0x63: {  	v4 =	vld.idx.msk [tilespmem:v3+s4+$0x0], $0xffff  }
.Ltmp1:
0x64: {  	v3 =	vld.idx.msk [tilespmem:v0+s4+$0x0], $0xffff;
	(pc) =	sbr.rel @p0 .LBB2_5-.Ltmp1, $4  }
0x65: {  	v0 =	vld.idx.msk [tilespmem:v1+s4+$0x0], $0xffff  }
0x66: {  	s25 =	sadd.s32 $0x80, s25;
	v1 =	vld.idx.msk [tilespmem:v2+s4+$0x0], $0xffff  }
0x67: {  	v2 =	vld.idx.msk [tilespmem:v5+s4+$0x0], $0xffff;
	[tilespmem:s25+$0x30] =	vst v6  }
0x68: {  	s28 =	sadd.s32 $0x80, s28;
	v5 =	vld.idx.msk [tilespmem:v7+s4+$0x0], $0xffff;
	[tilespmem:s25+$0xFFFFFFD0] =	vst v8  }
0x69: {  	[tilespmem:s25+$0xFFFFFFE0] =	vst v4;
	s23 =	sadd.s32 $0x1, s23  }
0x6a: {  	[tilespmem:s25+$0xFFFFFFF0] =	vst v3;
	p0 =	sne.s32 s23, $0x5  }
.Ltmp2:
0x6b: {  	[tilespmem:s25+$0x0] =	vst v0;
	(pc) =	sbr.rel @p0 .LBB2_2-.Ltmp2, $4  }
0x6c: {  	[tilespmem:s25+$0x10] =	vst v1  }
0x6d: {  	[tilespmem:s25+$0x20] =	vst v2  }
0x6e: {  	s24 =	sadd.s32 s10, s24;
	s21 =	sadd.s32 $0x1000, s21;
	s22 =	sadd.s32 $0x1000, s22;
	[tilespmem:s25+$0xFFFFFFC0] =	vst v5  }
0x6f: {  	[hbm4b:s24+s14] =	stream.strided.scatter [tilespmem:s17], [sflag:$0x2], $0x800, s15, s14, $0x38;
	[tilespmem:$0x1E700] =	vst v63  }
0x70: {  	_ =	swait.ge [sflag:s18], $0x800  }
0x71: {  	[sflag:s18] =	ssyncset.done $0x0  }
0x72: {  	[sflag:s18] =	ssyncadd.s32 $0xFFFFF800  }
0x73: {  	_ =	swait.ge [sflag:s19], $0x800  }
0x74: {  	[sflag:s19] =	ssyncset.done $0x0  }
0x75: {  	s21 =	simm.s32 $0x0;
	[sflag:s19] =	ssyncadd.s32 $0xFFFFF800  }
0x76: {  	[tilespmem:s21], [sflag:$0x3] =	stream.strided.gather [hbm4b:s8+s14], $0x18700, s15, s14, $0x38;
	[tilespmem:$0x1E700] =	vst v63  }
0x77: {  	_ =	swait.ge [sflag:s13], $0x18700  }
0x78: {  	[sflag:s13] =	ssyncset.done $0x0  }
0x79: {  	s22 =	simm.s32 $0x18740;
	s23 =	simm.s32 $0x18F70;
	[sflag:s13] =	ssyncadd.s32 $0xFFFE7900  }
.LBB2_8:
0x7a: {  	p0 =	seq.s32 s21, $0x0  }
0x7b: {  	s24 =	simm.s32 @!p0 $0x1  }
0x7c: {  	_ =	swait.ge @!p0 [sflag:s24], $0x800  }
0x7d: {  	[sflag:s24] =	ssyncset.done @!p0 $0x0  }
0x7e: {  	[sflag:s24] =	ssyncadd.s32 @!p0 $0xFFFFF800  }
0x7f: {  	v0 =	vld [tilespmem:s22+$0x30]  }
0x80: {  	v1 =	vld [tilespmem:s22+$0xFFFFFFD0]  }
0x81: {  	v2 =	vld [tilespmem:s22+$0xFFFFFFE0]  }
0x82: {  	v3 =	vld [tilespmem:s22+$0xFFFFFFF0]  }
0x83: {  	v6 =	vld [tilespmem:s22+$0x0]  }
0x84: {  	v7 =	vld [tilespmem:s22+$0x10]  }
0x85: {  	v8 =	vld [tilespmem:s22+$0x20]  }
0x86: {  	v9 =	vld [tilespmem:s22+$0xFFFFFFC0]  }
0x87: {  	v10 =	vld.idx.msk [tilespmem:v0+s4+$0x0], $0xffff  }
0x88: {  	v11 =	vld.idx.msk [tilespmem:v1+s4+$0x0], $0xffff  }
0x89: {  	v5 =	vld.idx.msk [tilespmem:v2+s4+$0x0], $0xffff  }
0x8a: {  	v4 =	vld.idx.msk [tilespmem:v3+s4+$0x0], $0xffff  }
0x8b: {  	v2 =	vld.idx.msk [tilespmem:v6+s4+$0x0], $0xffff  }
0x8c: {  	s25 =	simm.s32 $0x1D740;
	v1 =	vld.idx.msk [tilespmem:v7+s4+$0x0], $0xffff  }
0x8d: {  	v0 =	vld.idx.msk [tilespmem:v8+s4+$0x0], $0xffff;
	[tilespmem:s25+$0x30] =	vst v10  }
0x8e: {  	s26 =	simm.s32 $0x0;
	s28 =	sadd.s32 $0x80, s22;
	s24 =	sshll.u32 s21, $0xC;
	v3 =	vld.idx.msk [tilespmem:v9+s4+$0x0], $0xffff;
	[tilespmem:s25+$0xFFFFFFD0] =	vst v11  }
.LBB2_9:
0x8f: {  	v6 =	vld [tilespmem:s28+$0x30];
	s26 =	sadd.s32 $0x8, s26;
	[tilespmem:s25+$0xFFFFFFE0] =	vst v5  }
0x90: {  	v5 =	vld [tilespmem:s28+$0xFFFFFFD0];
	p1 =	slt.u32 s26, $0x78;
	[tilespmem:s25+$0xFFFFFFF0] =	vst v4  }
0x91: {  	v4 =	vld [tilespmem:s28+$0xFFFFFFE0];
	[tilespmem:s25+$0x0] =	vst v2  }
0x92: {  	v2 =	vld [tilespmem:s28+$0xFFFFFFF0];
	[tilespmem:s25+$0x10] =	vst v1  }
0x93: {  	v1 =	vld [tilespmem:s28+$0x0];
	[tilespmem:s25+$0x20] =	vst v0  }
0x94: {  	v0 =	vld [tilespmem:s28+$0x10];
	[tilespmem:s25+$0xFFFFFFC0] =	vst v3  }
0x95: {  	v3 =	vld [tilespmem:s28+$0x20]  }
0x96: {  	v7 =	vld [tilespmem:s28+$0xFFFFFFC0]  }
0x97: {  	v6 =	vld.idx.msk [tilespmem:v6+s4+$0x0], $0xffff  }
0x98: {  	v8 =	vld.idx.msk [tilespmem:v5+s4+$0x0], $0xffff  }
0x99: {  	v5 =	vld.idx.msk [tilespmem:v4+s4+$0x0], $0xffff  }
.Ltmp3:
0x9a: {  	v4 =	vld.idx.msk [tilespmem:v2+s4+$0x0], $0xffff;
	(pc) =	sbr.rel @p1 .LBB2_9-.Ltmp3, $4  }
0x9b: {  	v2 =	vld.idx.msk [tilespmem:v1+s4+$0x0], $0xffff  }
0x9c: {  	s25 =	sadd.s32 $0x80, s25;
	v1 =	vld.idx.msk [tilespmem:v0+s4+$0x0], $0xffff  }
0x9d: {  	v0 =	vld.idx.msk [tilespmem:v3+s4+$0x0], $0xffff;
	[tilespmem:s25+$0x30] =	vst v6  }
0x9e: {  	s28 =	sadd.s32 $0x80, s28;
	v3 =	vld.idx.msk [tilespmem:v7+s4+$0x0], $0xffff;
	[tilespmem:s25+$0xFFFFFFD0] =	vst v8  }
0x9f: {  	[tilespmem:s25+$0xFFFFFFE0] =	vst v5  }
0xa0: {  	[tilespmem:s25+$0xFFFFFFF0] =	vst v4  }
0xa1: {  	s26 =	sshll.u32 s21, $0xF;
	[tilespmem:s25+$0x0] =	vst v2  }
0xa2: {  	s26 =	sadd.s32 s7, s26;
	[tilespmem:s25+$0x10] =	vst v1  }
0xa3: {  	s26 =	sshrl.u32 s26, $0x3;
	[tilespmem:s25+$0x20] =	vst v0  }
0xa4: {  	s31 =	sadd.s32 s3, s26;
	[tilespmem:s25+$0xFFFFFFC0] =	vst v3;
	s25 =	simm.s32 @!p0 $0x2  }
0xa5: {  	[hbm4b:s31+s14] =	stream.strided.scatter [tilespmem:s16], [sflag:$0x1], $0x800, s15, s14, $0x38;
	[tilespmem:$0x1E700] =	vst v63  }
0xa6: {  	_ =	swait.ge @!p0 [sflag:s25], $0x800  }
0xa7: {  	[sflag:s25] =	ssyncset.done @!p0 $0x0  }
0xa8: {  	[sflag:s25] =	ssyncadd.s32 @!p0 $0xFFFFF800  }
0xa9: {  	v0 =	vld [tilespmem:s23+$0x0]  }
0xaa: {  	v1 =	vld [tilespmem:s23+$0xFFFFFFA0]  }
0xab: {  	v2 =	vld [tilespmem:s23+$0xFFFFFFB0]  }
0xac: {  	v3 =	vld [tilespmem:s23+$0xFFFFFFC0]  }
0xad: {  	v5 =	vld [tilespmem:s23+$0xFFFFFFD0]  }
0xae: {  	v6 =	vld [tilespmem:s23+$0xFFFFFFE0]  }
0xaf: {  	v7 =	vld [tilespmem:s23+$0xFFFFFFF0]  }
0xb0: {  	v8 =	vld [tilespmem:s23+$0xFFFFFF90]  }
0xb1: {  	v9 =	vld.idx.msk [tilespmem:v0+s4+$0x0], $0xffff  }
0xb2: {  	v10 =	vld.idx.msk [tilespmem:v1+s4+$0x0], $0xffff  }
0xb3: {  	v4 =	vld.idx.msk [tilespmem:v2+s4+$0x0], $0xffff  }
0xb4: {  	v3 =	vld.idx.msk [tilespmem:v3+s4+$0x0], $0xffff  }
0xb5: {  	v0 =	vld.idx.msk [tilespmem:v5+s4+$0x0], $0xffff  }
0xb6: {  	s25 =	simm.s32 $0x1DF40;
	v1 =	vld.idx.msk [tilespmem:v6+s4+$0x0], $0xffff  }
0xb7: {  	v2 =	vld.idx.msk [tilespmem:v7+s4+$0x0], $0xffff;
	[tilespmem:s25+$0x30] =	vst v9  }
0xb8: {  	s24 =	sor.u32 $0x800, s24;
	s28 =	sadd.s32 $0x80, s23;
	s26 =	simm.s32 $0x0;
	v5 =	vld.idx.msk [tilespmem:v8+s4+$0x0], $0xffff;
	[tilespmem:s25+$0xFFFFFFD0] =	vst v10  }
.LBB2_11:
0xb9: {  	v6 =	vld [tilespmem:s28+$0x0];
	s26 =	sadd.s32 $0x8, s26;
	[tilespmem:s25+$0xFFFFFFE0] =	vst v4  }
0xba: {  	v4 =	vld [tilespmem:s28+$0xFFFFFFA0];
	p0 =	slt.u32 s26, $0x78;
	[tilespmem:s25+$0xFFFFFFF0] =	vst v3  }
0xbb: {  	v3 =	vld [tilespmem:s28+$0xFFFFFFB0];
	[tilespmem:s25+$0x0] =	vst v0  }
0xbc: {  	v0 =	vld [tilespmem:s28+$0xFFFFFFC0];
	[tilespmem:s25+$0x10] =	vst v1  }
0xbd: {  	v1 =	vld [tilespmem:s28+$0xFFFFFFD0];
	[tilespmem:s25+$0x20] =	vst v2  }
0xbe: {  	v2 =	vld [tilespmem:s28+$0xFFFFFFE0];
	[tilespmem:s25+$0xFFFFFFC0] =	vst v5  }
0xbf: {  	v5 =	vld [tilespmem:s28+$0xFFFFFFF0]  }
0xc0: {  	v7 =	vld [tilespmem:s28+$0xFFFFFF90]  }
0xc1: {  	v6 =	vld.idx.msk [tilespmem:v6+s4+$0x0], $0xffff  }
0xc2: {  	v8 =	vld.idx.msk [tilespmem:v4+s4+$0x0], $0xffff  }
0xc3: {  	v4 =	vld.idx.msk [tilespmem:v3+s4+$0x0], $0xffff  }
.Ltmp4:
0xc4: {  	v3 =	vld.idx.msk [tilespmem:v0+s4+$0x0], $0xffff;
	(pc) =	sbr.rel @p0 .LBB2_11-.Ltmp4, $4  }
0xc5: {  	v0 =	vld.idx.msk [tilespmem:v1+s4+$0x0], $0xffff  }
0xc6: {  	s25 =	sadd.s32 $0x80, s25;
	v1 =	vld.idx.msk [tilespmem:v2+s4+$0x0], $0xffff  }
0xc7: {  	v2 =	vld.idx.msk [tilespmem:v5+s4+$0x0], $0xffff;
	[tilespmem:s25+$0x30] =	vst v6  }
0xc8: {  	s28 =	sadd.s32 $0x80, s28;
	v5 =	vld.idx.msk [tilespmem:v7+s4+$0x0], $0xffff;
	[tilespmem:s25+$0xFFFFFFD0] =	vst v8  }
0xc9: {  	[tilespmem:s25+$0xFFFFFFE0] =	vst v4;
	s21 =	sadd.s32 $0x1, s21  }
0xca: {  	[tilespmem:s25+$0xFFFFFFF0] =	vst v3;
	p0 =	sne.s32 s21, $0x5  }
.Ltmp5:
0xcb: {  	[tilespmem:s25+$0x0] =	vst v0;
	(pc) =	sbr.rel @p0 .LBB2_8-.Ltmp5, $4  }
0xcc: {  	[tilespmem:s25+$0x10] =	vst v1  }
0xcd: {  	[tilespmem:s25+$0x20] =	vst v2  }
0xce: {  	s24 =	sadd.s32 s11, s24;
	s22 =	sadd.s32 $0x1000, s22;
	s23 =	sadd.s32 $0x1000, s23;
	[tilespmem:s25+$0xFFFFFFC0] =	vst v5  }
0xcf: {  	[hbm4b:s24+s14] =	stream.strided.scatter [tilespmem:s17], [sflag:$0x2], $0x800, s15, s14, $0x38;
	[tilespmem:$0x1E700] =	vst v63  }
0xd0: {  	s20 =	sadd.s32 $0x1, s20  }
0xd1: {  	_ =	swait.ge [sflag:s18], $0x800;
	p0 =	sne.s32 s20, s9  }
.Ltmp6:
0xd2: {  	[sflag:s18] =	ssyncset.done $0x0;
	(pc) =	sbr.rel @p0 .LBB2_1-.Ltmp6, $4  }
0xd3: {  	[sflag:s18] =	ssyncadd.s32 $0xFFFFF800  }
0xd4: {  	_ =	swait.ge [sflag:s19], $0x800  }
0xd5: {  	[sflag:s19] =	ssyncset.done $0x0  }
0xd6: {  	[sflag:s19] =	ssyncadd.s32 $0xFFFFF800  }
0xd7: {  	_ =	sfence.sel $0x180000  }
0xd8: {  	[bflag:$0x0] =	sbarrier.arrive $0xFFFF  }
0xd9: {  	p0 =	sne.s32 s2, $0x0;
	_ =	strace $0x90000047  }
0xda: {  	s0 =	sadd.s32 @!p0 $0x100000, s0;
	[bflag:$0x2] =	sbarrier.arrive $0xFFFF  }
0xdb: {  	[sflag:s0] =	ssyncadd.tile.s32 @!p0 $0x1;
	_ =	shalt  }
.Lfunc_end2:
_tile_overlayer_lowered:
.L_overlay_start_2:
0xdc: {  	(tag) =	ssettag $0x2  }
0xdd: {  	s0 =	rddreg [dreg:$0x0];
	s2 =	stileid.u32  }
0xde: {  	s1 =	rddreg [dreg:$0x1];
	p0 =	sne.s32 s2, $0x0  }
0xdf: {  	s3 =	rddreg [dreg:$0x2];
	[bflag:$0x3] =	sbarrier.arrive $0xFFFF;
	s2 =	simm.s32 @!p0 $0x1C03  }
0xe0: {  	[timem:s3], [sflag:s2] =	dma.local @!p0 [hbm:s0], s1  }
0xe1: {  	s0 =	simm.s32 @!p0 $0x3  }
0xe2: {  	_ =	swait.ge @!p0 [sflag:s0], s1  }
0xe3: {  	s1 =	ssub.s32 @!p0 $0x0, s1;
	[sflag:s0] =	ssyncset.done @!p0 $0x0  }
0xe4: {  	[sflag:s0] =	ssyncadd.s32 @!p0 s1  }
0xe5: {  	[bflag:$0x3] =	sbarrier.arrive $0xFFFF  }
0xe6: {  	_ =	shalt  }

</sc_bundles>
